<compile_context>
chip_gen: v7x
topology: tpu7x:2x2x1
jax: 0.10.2.dev20260603
libtpu: 0.0.44.dev20260713+nightly
codegen_flags: <defaults>
</compile_context>

<pallas_src>
import functools

import jax
import jax.numpy as jnp
from jax import lax
from jax.experimental import pallas as pl
from jax.experimental.pallas import tpu as pltpu
from jax.experimental.pallas import tpu_sc as plsc

NOP = 100000
HIDDEN_DIM = 64
BATCH = 16384

_info = plsc.get_sparse_core_info()
_NC, _NS = _info.num_cores, _info.num_subcores
_NW = _NC * _NS
_ROWS_PER_W = HIDDEN_DIM // _NW
_SPLIT = 50048
_ALIGNED_END = 99968
_AUX0 = NOP - 128
_LN1 = _ALIGNED_END - _SPLIT


def _make_gather():
    mesh = plsc.VectorSubcoreMesh(core_axis_name="c", subcore_axis_name="s")

    @functools.partial(
        pl.kernel,
        mesh=mesh,
        out_type=jax.ShapeDtypeStruct((HIDDEN_DIM, BATCH), jnp.float32),
        scratch_types=[
            pltpu.VMEM((BATCH,), jnp.int32),
            pltpu.VMEM((1, _SPLIT), jnp.float32),
            pltpu.VMEM((1, BATCH), jnp.float32),
            pltpu.SemaphoreType.DMA,
        ],
        compiler_params=pltpu.CompilerParams(
            needs_layout_passes=False, skip_device_barrier=True
        ),
    )
    def gather_kernel(
        idx_hbm, tT_hbm, tailT_hbm, outT_hbm, idx_v, slab_v, orow_v, sem
    ):
        wid = lax.axis_index("s") * _NC + lax.axis_index("c")
        lane = lax.iota(jnp.int32, 16)
        zero16 = jnp.zeros((16,), jnp.int32)

        def slab_dma(h, c0, ln):
            copies = []
            off = 0
            while off < ln:
                cl = min(12544, ln - off)
                copies.append(
                    pltpu.async_copy(
                        tT_hbm.at[pl.ds(h, 1), pl.ds(c0 + off, cl)],
                        slab_v.at[:, pl.ds(off, cl)],
                        sem,
                    )
                )
                off += cl
            return copies

        pltpu.sync_copy(idx_hbm, idx_v)

        def per_row(hp, _):
            h = _ROWS_PER_W * wid + hp

            for c in slab_dma(h, 0, _SPLIT):
                c.wait()

            @plsc.parallel_loop(0, BATCH, step=16, unroll=8)
            def step0(k):
                iv = idx_v[pl.ds(k, 16)]
                m = iv < _SPLIT
                g = plsc.load_gather(slab_v, [zero16, iv], mask=m)
                plsc.store_scatter(orow_v, [zero16, lane + k], g, mask=m)

            copies = slab_dma(h, _SPLIT, _LN1)
            copies.append(
                pltpu.async_copy(
                    tailT_hbm.at[pl.ds(h, 1), :],
                    slab_v.at[:, pl.ds(_LN1, 128)],
                    sem,
                )
            )
            for c in copies:
                c.wait()

            @plsc.parallel_loop(0, BATCH, step=16, unroll=8)
            def step1(k):
                iv = idx_v[pl.ds(k, 16)]
                m = iv >= _SPLIT
                rel = jnp.where(
                    iv >= _AUX0, iv - (_AUX0 - _LN1), iv - _SPLIT
                )
                g = plsc.load_gather(slab_v, [zero16, rel], mask=m)
                plsc.store_scatter(orow_v, [zero16, lane + k], g, mask=m)

            pltpu.sync_copy(orow_v, outT_hbm.at[pl.ds(h, 1), :])
            return ()

        lax.fori_loop(0, _ROWS_PER_W, per_row, ())

    return gather_kernel


_gather = _make_gather()


def kernel(problem_id, embedding_table):
    tail_t = embedding_table[_AUX0:].T
    out_t = _gather(problem_id, embedding_table.T, tail_t)
    return out_t.T

# --- scband reference (transcript-rebuilt; emitter-appended) ---
"""Pipeline reference for scband-problem-encoder-32959579030231 (READ-ONLY COPY).

The authoritative reference and input builder live on the scoring server;
editing this copy changes nothing except your own understanding.
"""

import jax, jax.numpy as jnp
import numpy as np

NOP = 100000
HIDDEN_DIM = 64
BATCH = 16384

def setup_inputs(seed: int = 0) -> dict:
    key = jax.random.key(seed)
    k1, k2 = jax.random.split(key)
    problem_id = jax.random.randint(k1, (BATCH,), 0, NOP, dtype=jnp.int64 if jax.config.read('jax_enable_x64') else jnp.int32).astype(jnp.int32)
    embedding_table = jax.random.normal(k2, (NOP, HIDDEN_DIM), dtype=jnp.float32)
    return {"problem_id": problem_id, "embedding_table": embedding_table}

def reference(problem_id, embedding_table):
    # nn.Embedding lookup: table[idx]
    return jnp.take(embedding_table, problem_id, axis=0)

if __name__ == "__main__":
    import jax
    _d = setup_inputs()
    print(jax.jit(kernel)(*tuple(_d.values())))

</pallas_src>

<mosaic_0001>
#map = affine_map<(d0, d1) -> (0)>
#map1 = affine_map<(d0, d1) -> (0, 0)>
module attributes {stable_mosaic.version = 14 : i64} {
  func.func @gather_kernel(%arg0: i32, %arg1: i32, %arg2: memref<16384xi32, #tpu.memory_space<hbm>>, %arg3: memref<64x100000xf32, #tpu.memory_space<hbm>>, %arg4: memref<64x128xf32, #tpu.memory_space<hbm>>, %arg5: memref<64x16384xf32, #tpu.memory_space<hbm>>, %arg6: memref<16384xi32, #tpu.memory_space<vmem>>, %arg7: memref<1x50048xf32, #tpu.memory_space<vmem>>, %arg8: memref<1x16384xf32, #tpu.memory_space<vmem>>, %arg9: memref<!tpu.dma_semaphore, #tpu.memory_space<semaphore_mem>>) attributes {dimension_semantics = [#tpu.dimension_semantics<core_parallel>, #tpu.dimension_semantics<subcore_parallel>], iteration_bounds = array<i64: 2, 16>, scalar_prefetch = 0 : i64, scratch_operands = 4 : i64, tpu.core_type = #tpu.core_type<sc_vector_subcore>, window_params = [{transform_indices = #map}, {transform_indices = #map1}, {transform_indices = #map1}, {transform_indices = #map1}]} {
    %mul3A = arith.constant 2 : i32
    %mul3A_0 = arith.muli %arg1, %mul3A : i32
    %add3A = arith.addi %mul3A_0, %arg0 : i32
    %iota3A = tpu.iota {dimensions = array<i32: 0>} : vector<16xi32>
    %broadcast_in_dim3A = arith.constant 0 : i32
    %broadcast_in_dim3A_1 = vector.broadcast %broadcast_in_dim3A : i32 to vector<16xi32>
    "tpu.region"() ({
      %run_scoped3A = tpu.sem_alloc : memref<!tpu.dma_semaphore, #tpu.memory_space<semaphore_mem>>
      tpu.enqueue_dma source(%arg2 : memref<16384xi32, #tpu.memory_space<hbm>>) target(%arg6 : memref<16384xi32, #tpu.memory_space<vmem>>) target_semaphore(%run_scoped3A : memref<!tpu.dma_semaphore, #tpu.memory_space<semaphore_mem>>)
      tpu.wait_dma2 semaphore(%run_scoped3A : memref<!tpu.dma_semaphore, #tpu.memory_space<semaphore_mem>>) src(%arg2 : memref<16384xi32, #tpu.memory_space<hbm>>) dst(%arg6 : memref<16384xi32, #tpu.memory_space<vmem>>)
      tpu.yield
    }) : () -> ()
    %scan3A = arith.constant 0 : i32
    %scan3A_2 = arith.constant 2 : i32
    %scan3A_3 = arith.addi %scan3A, %scan3A_2 : i32
    %scan3A_4 = arith.constant 1 : i32
    scf.for %scan3A_6 = %scan3A to %scan3A_3 step %scan3A_4  : i32 {
      %mul3A_7 = arith.constant 2 : i32
      %mul3A_8 = arith.muli %mul3A_7, %add3A : i32
      %add3A_9 = arith.addi %mul3A_8, %scan3A_6 : i32
      %dma_start3A = arith.constant 0 : i32
      %dma_start3A_10 = arith.constant 0 : i32
      %dma_start3A_11 = tpu.memref_slice %arg7[%dma_start3A, %dma_start3A_10] : memref<1x50048xf32, #tpu.memory_space<vmem>> -> memref<1x12544xf32, #tpu.memory_space<vmem>>
      %dma_start3A_12 = arith.constant 0 : i32
      %dma_start3A_13 = tpu.memref_slice %arg3[%add3A_9, %dma_start3A_12] : memref<64x100000xf32, #tpu.memory_space<hbm>> -> memref<1x12544xf32, #tpu.memory_space<hbm>>
      %dma_start3A_14 = arith.constant 0 : i32
      %dma_start3A_15 = arith.constant 0 : i32
      %dma_start3A_16 = tpu.memref_slice %arg7[%dma_start3A_14, %dma_start3A_15] : memref<1x50048xf32, #tpu.memory_space<vmem>> -> memref<1x12544xf32, #tpu.memory_space<vmem>>
      %dma_start3A_17 = arith.constant 0 : i32
      %dma_start3A_18 = tpu.memref_slice %arg3[%add3A_9, %dma_start3A_17] : memref<64x100000xf32, #tpu.memory_space<hbm>> -> memref<1x12544xf32, #tpu.memory_space<hbm>>
      tpu.enqueue_dma source(%dma_start3A_18 : memref<1x12544xf32, #tpu.memory_space<hbm>>) target(%dma_start3A_16 : memref<1x12544xf32, #tpu.memory_space<vmem>>) target_semaphore(%arg9 : memref<!tpu.dma_semaphore, #tpu.memory_space<semaphore_mem>>)
      %dma_start3A_19 = arith.constant 0 : i32
      %dma_start3A_20 = arith.constant 12544 : i32
      %dma_start3A_21 = tpu.memref_slice %arg7[%dma_start3A_19, %dma_start3A_20] : memref<1x50048xf32, #tpu.memory_space<vmem>> -> memref<1x12544xf32, #tpu.memory_space<vmem>>
      %dma_start3A_22 = arith.constant 12544 : i32
      %dma_start3A_23 = tpu.memref_slice %arg3[%add3A_9, %dma_start3A_22] : memref<64x100000xf32, #tpu.memory_space<hbm>> -> memref<1x12544xf32, #tpu.memory_space<hbm>>
      %dma_start3A_24 = arith.constant 0 : i32
      %dma_start3A_25 = arith.constant 12544 : i32
      %dma_start3A_26 = tpu.memref_slice %arg7[%dma_start3A_24, %dma_start3A_25] : memref<1x50048xf32, #tpu.memory_space<vmem>> -> memref<1x12544xf32, #tpu.memory_space<vmem>>
      %dma_start3A_27 = arith.constant 12544 : i32
      %dma_start3A_28 = tpu.memref_slice %arg3[%add3A_9, %dma_start3A_27] : memref<64x100000xf32, #tpu.memory_space<hbm>> -> memref<1x12544xf32, #tpu.memory_space<hbm>>
      tpu.enqueue_dma source(%dma_start3A_28 : memref<1x12544xf32, #tpu.memory_space<hbm>>) target(%dma_start3A_26 : memref<1x12544xf32, #tpu.memory_space<vmem>>) target_semaphore(%arg9 : memref<!tpu.dma_semaphore, #tpu.memory_space<semaphore_mem>>)
      %dma_start3A_29 = arith.constant 0 : i32
      %dma_start3A_30 = arith.constant 25088 : i32
      %dma_start3A_31 = tpu.memref_slice %arg7[%dma_start3A_29, %dma_start3A_30] : memref<1x50048xf32, #tpu.memory_space<vmem>> -> memref<1x12544xf32, #tpu.memory_space<vmem>>
      %dma_start3A_32 = arith.constant 25088 : i32
      %dma_start3A_33 = tpu.memref_slice %arg3[%add3A_9, %dma_start3A_32] : memref<64x100000xf32, #tpu.memory_space<hbm>> -> memref<1x12544xf32, #tpu.memory_space<hbm>>
      %dma_start3A_34 = arith.constant 0 : i32
      %dma_start3A_35 = arith.constant 25088 : i32
      %dma_start3A_36 = tpu.memref_slice %arg7[%dma_start3A_34, %dma_start3A_35] : memref<1x50048xf32, #tpu.memory_space<vmem>> -> memref<1x12544xf32, #tpu.memory_space<vmem>>
      %dma_start3A_37 = arith.constant 25088 : i32
      %dma_start3A_38 = tpu.memref_slice %arg3[%add3A_9, %dma_start3A_37] : memref<64x100000xf32, #tpu.memory_space<hbm>> -> memref<1x12544xf32, #tpu.memory_space<hbm>>
      tpu.enqueue_dma source(%dma_start3A_38 : memref<1x12544xf32, #tpu.memory_space<hbm>>) target(%dma_start3A_36 : memref<1x12544xf32, #tpu.memory_space<vmem>>) target_semaphore(%arg9 : memref<!tpu.dma_semaphore, #tpu.memory_space<semaphore_mem>>)
      %dma_start3A_39 = arith.constant 0 : i32
      %dma_start3A_40 = arith.constant 37632 : i32
      %dma_start3A_41 = tpu.memref_slice %arg7[%dma_start3A_39, %dma_start3A_40] : memref<1x50048xf32, #tpu.memory_space<vmem>> -> memref<1x12416xf32, #tpu.memory_space<vmem>>
      %dma_start3A_42 = arith.constant 37632 : i32
      %dma_start3A_43 = tpu.memref_slice %arg3[%add3A_9, %dma_start3A_42] : memref<64x100000xf32, #tpu.memory_space<hbm>> -> memref<1x12416xf32, #tpu.memory_space<hbm>>
      %dma_start3A_44 = arith.constant 0 : i32
      %dma_start3A_45 = arith.constant 37632 : i32
      %dma_start3A_46 = tpu.memref_slice %arg7[%dma_start3A_44, %dma_start3A_45] : memref<1x50048xf32, #tpu.memory_space<vmem>> -> memref<1x12416xf32, #tpu.memory_space<vmem>>
      %dma_start3A_47 = arith.constant 37632 : i32
      %dma_start3A_48 = tpu.memref_slice %arg3[%add3A_9, %dma_start3A_47] : memref<64x100000xf32, #tpu.memory_space<hbm>> -> memref<1x12416xf32, #tpu.memory_space<hbm>>
      tpu.enqueue_dma source(%dma_start3A_48 : memref<1x12416xf32, #tpu.memory_space<hbm>>) target(%dma_start3A_46 : memref<1x12416xf32, #tpu.memory_space<vmem>>) target_semaphore(%arg9 : memref<!tpu.dma_semaphore, #tpu.memory_space<semaphore_mem>>)
      %dma_wait3A = arith.constant 0 : i32
      %dma_wait3A_49 = arith.constant 0 : i32
      %dma_wait3A_50 = tpu.memref_slice %arg7[%dma_wait3A, %dma_wait3A_49] : memref<1x50048xf32, #tpu.memory_space<vmem>> -> memref<1x12544xf32, #tpu.memory_space<vmem>>
      %dma_wait3A_51 = arith.constant 0 : i32
      %dma_wait3A_52 = tpu.memref_slice %arg3[%add3A_9, %dma_wait3A_51] : memref<64x100000xf32, #tpu.memory_space<hbm>> -> memref<1x12544xf32, #tpu.memory_space<hbm>>
      %dma_wait3A_53 = arith.constant 0 : i32
      %dma_wait3A_54 = arith.constant 0 : i32
      %dma_wait3A_55 = tpu.memref_slice %arg7[%dma_wait3A_53, %dma_wait3A_54] : memref<1x50048xf32, #tpu.memory_space<vmem>> -> memref<1x12544xf32, #tpu.memory_space<vmem>>
      %dma_wait3A_56 = arith.constant 0 : i32
      %dma_wait3A_57 = tpu.memref_slice %arg3[%add3A_9, %dma_wait3A_56] : memref<64x100000xf32, #tpu.memory_space<hbm>> -> memref<1x12544xf32, #tpu.memory_space<hbm>>
      tpu.wait_dma2 semaphore(%arg9 : memref<!tpu.dma_semaphore, #tpu.memory_space<semaphore_mem>>) src(%dma_wait3A_57 : memref<1x12544xf32, #tpu.memory_space<hbm>>) dst(%dma_wait3A_55 : memref<1x12544xf32, #tpu.memory_space<vmem>>)
      %dma_wait3A_58 = arith.constant 0 : i32
      %dma_wait3A_59 = arith.constant 12544 : i32
      %dma_wait3A_60 = tpu.memref_slice %arg7[%dma_wait3A_58, %dma_wait3A_59] : memref<1x50048xf32, #tpu.memory_space<vmem>> -> memref<1x12544xf32, #tpu.memory_space<vmem>>
      %dma_wait3A_61 = arith.constant 12544 : i32
      %dma_wait3A_62 = tpu.memref_slice %arg3[%add3A_9, %dma_wait3A_61] : memref<64x100000xf32, #tpu.memory_space<hbm>> -> memref<1x12544xf32, #tpu.memory_space<hbm>>
      %dma_wait3A_63 = arith.constant 0 : i32
      %dma_wait3A_64 = arith.constant 12544 : i32
      %dma_wait3A_65 = tpu.memref_slice %arg7[%dma_wait3A_63, %dma_wait3A_64] : memref<1x50048xf32, #tpu.memory_space<vmem>> -> memref<1x12544xf32, #tpu.memory_space<vmem>>
      %dma_wait3A_66 = arith.constant 12544 : i32
      %dma_wait3A_67 = tpu.memref_slice %arg3[%add3A_9, %dma_wait3A_66] : memref<64x100000xf32, #tpu.memory_space<hbm>> -> memref<1x12544xf32, #tpu.memory_space<hbm>>
      tpu.wait_dma2 semaphore(%arg9 : memref<!tpu.dma_semaphore, #tpu.memory_space<semaphore_mem>>) src(%dma_wait3A_67 : memref<1x12544xf32, #tpu.memory_space<hbm>>) dst(%dma_wait3A_65 : memref<1x12544xf32, #tpu.memory_space<vmem>>)
      %dma_wait3A_68 = arith.constant 0 : i32
      %dma_wait3A_69 = arith.constant 25088 : i32
      %dma_wait3A_70 = tpu.memref_slice %arg7[%dma_wait3A_68, %dma_wait3A_69] : memref<1x50048xf32, #tpu.memory_space<vmem>> -> memref<1x12544xf32, #tpu.memory_space<vmem>>
      %dma_wait3A_71 = arith.constant 25088 : i32
      %dma_wait3A_72 = tpu.memref_slice %arg3[%add3A_9, %dma_wait3A_71] : memref<64x100000xf32, #tpu.memory_space<hbm>> -> memref<1x12544xf32, #tpu.memory_space<hbm>>
      %dma_wait3A_73 = arith.constant 0 : i32
      %dma_wait3A_74 = arith.constant 25088 : i32
      %dma_wait3A_75 = tpu.memref_slice %arg7[%dma_wait3A_73, %dma_wait3A_74] : memref<1x50048xf32, #tpu.memory_space<vmem>> -> memref<1x12544xf32, #tpu.memory_space<vmem>>
      %dma_wait3A_76 = arith.constant 25088 : i32
      %dma_wait3A_77 = tpu.memref_slice %arg3[%add3A_9, %dma_wait3A_76] : memref<64x100000xf32, #tpu.memory_space<hbm>> -> memref<1x12544xf32, #tpu.memory_space<hbm>>
      tpu.wait_dma2 semaphore(%arg9 : memref<!tpu.dma_semaphore, #tpu.memory_space<semaphore_mem>>) src(%dma_wait3A_77 : memref<1x12544xf32, #tpu.memory_space<hbm>>) dst(%dma_wait3A_75 : memref<1x12544xf32, #tpu.memory_space<vmem>>)
      %dma_wait3A_78 = arith.constant 0 : i32
      %dma_wait3A_79 = arith.constant 37632 : i32
      %dma_wait3A_80 = tpu.memref_slice %arg7[%dma_wait3A_78, %dma_wait3A_79] : memref<1x50048xf32, #tpu.memory_space<vmem>> -> memref<1x12416xf32, #tpu.memory_space<vmem>>
      %dma_wait3A_81 = arith.constant 37632 : i32
      %dma_wait3A_82 = tpu.memref_slice %arg3[%add3A_9, %dma_wait3A_81] : memref<64x100000xf32, #tpu.memory_space<hbm>> -> memref<1x12416xf32, #tpu.memory_space<hbm>>
      %dma_wait3A_83 = arith.constant 0 : i32
      %dma_wait3A_84 = arith.constant 37632 : i32
      %dma_wait3A_85 = tpu.memref_slice %arg7[%dma_wait3A_83, %dma_wait3A_84] : memref<1x50048xf32, #tpu.memory_space<vmem>> -> memref<1x12416xf32, #tpu.memory_space<vmem>>
      %dma_wait3A_86 = arith.constant 37632 : i32
      %dma_wait3A_87 = tpu.memref_slice %arg3[%add3A_9, %dma_wait3A_86] : memref<64x100000xf32, #tpu.memory_space<hbm>> -> memref<1x12416xf32, #tpu.memory_space<hbm>>
      tpu.wait_dma2 semaphore(%arg9 : memref<!tpu.dma_semaphore, #tpu.memory_space<semaphore_mem>>) src(%dma_wait3A_87 : memref<1x12416xf32, #tpu.memory_space<hbm>>) dst(%dma_wait3A_85 : memref<1x12416xf32, #tpu.memory_space<vmem>>)
      %parallel_loop3A = arith.constant 0 : i32
      %parallel_loop3A_88 = arith.constant 16384 : i32
      %parallel_loop3A_89 = arith.constant 16 : i32
      scf.for %parallel_loop3A_193 = %parallel_loop3A to %parallel_loop3A_88 step %parallel_loop3A_89  : i32 {
        %parallel_loop3A_194 = arith.index_cast %parallel_loop3A_193 : i32 to index
        %parallel_loop3A_195 = tpu.vector_load %arg6[%parallel_loop3A_194] {strides = array<i32>} : memref<16384xi32, #tpu.memory_space<vmem>>, vector<16xi32>,
        %parallel_loop3A_196 = arith.constant 50048 : i32
        %parallel_loop3A_197 = vector.broadcast %parallel_loop3A_196 : i32 to vector<16xi32>
        %parallel_loop3A_198 = arith.cmpi slt, %parallel_loop3A_195, %parallel_loop3A_197 : vector<16xi32>
        %parallel_loop3A_199 = tpu.vector_load_idx %arg7[%broadcast_in_dim3A_1, %parallel_loop3A_195] masked %parallel_loop3A_198 : memref<1x50048xf32, #tpu.memory_space<vmem>>[vector<16xi32>, vector<16xi32>], vector<16xf32>, vector<16xi1>
        %parallel_loop3A_200 = vector.broadcast %parallel_loop3A_193 : i32 to vector<16xi32>
        %parallel_loop3A_201 = arith.addi %iota3A, %parallel_loop3A_200 : vector<16xi32>
        tpu.vector_store_idx %arg8[%broadcast_in_dim3A_1, %parallel_loop3A_201], %parallel_loop3A_199 masked %parallel_loop3A_198 : memref<1x16384xf32, #tpu.memory_space<vmem>>[vector<16xi32>, vector<16xi32>], vector<16xf32>, vector<16xi1>
      } {sc.loop_unroll_factor = 8 : i64, sc.parallel_access}
      %dma_start3A_90 = arith.constant 0 : i32
      %dma_start3A_91 = arith.constant 0 : i32
      %dma_start3A_92 = tpu.memref_slice %arg7[%dma_start3A_90, %dma_start3A_91] : memref<1x50048xf32, #tpu.memory_space<vmem>> -> memref<1x12544xf32, #tpu.memory_space<vmem>>
      %dma_start3A_93 = arith.constant 50048 : i32
      %dma_start3A_94 = tpu.memref_slice %arg3[%add3A_9, %dma_start3A_93] : memref<64x100000xf32, #tpu.memory_space<hbm>> -> memref<1x12544xf32, #tpu.memory_space<hbm>>
      %dma_start3A_95 = arith.constant 0 : i32
      %dma_start3A_96 = arith.constant 0 : i32
      %dma_start3A_97 = tpu.memref_slice %arg7[%dma_start3A_95, %dma_start3A_96] : memref<1x50048xf32, #tpu.memory_space<vmem>> -> memref<1x12544xf32, #tpu.memory_space<vmem>>
      %dma_start3A_98 = arith.constant 50048 : i32
      %dma_start3A_99 = tpu.memref_slice %arg3[%add3A_9, %dma_start3A_98] : memref<64x100000xf32, #tpu.memory_space<hbm>> -> memref<1x12544xf32, #tpu.memory_space<hbm>>
      tpu.enqueue_dma source(%dma_start3A_99 : memref<1x12544xf32, #tpu.memory_space<hbm>>) target(%dma_start3A_97 : memref<1x12544xf32, #tpu.memory_space<vmem>>) target_semaphore(%arg9 : memref<!tpu.dma_semaphore, #tpu.memory_space<semaphore_mem>>)
      %dma_start3A_100 = arith.constant 0 : i32
      %dma_start3A_101 = arith.constant 12544 : i32
      %dma_start3A_102 = tpu.memref_slice %arg7[%dma_start3A_100, %dma_start3A_101] : memref<1x50048xf32, #tpu.memory_space<vmem>> -> memref<1x12544xf32, #tpu.memory_space<vmem>>
      %dma_start3A_103 = arith.constant 62592 : i32
      %dma_start3A_104 = tpu.memref_slice %arg3[%add3A_9, %dma_start3A_103] : memref<64x100000xf32, #tpu.memory_space<hbm>> -> memref<1x12544xf32, #tpu.memory_space<hbm>>
      %dma_start3A_105 = arith.constant 0 : i32
      %dma_start3A_106 = arith.constant 12544 : i32
      %dma_start3A_107 = tpu.memref_slice %arg7[%dma_start3A_105, %dma_start3A_106] : memref<1x50048xf32, #tpu.memory_space<vmem>> -> memref<1x12544xf32, #tpu.memory_space<vmem>>
      %dma_start3A_108 = arith.constant 62592 : i32
      %dma_start3A_109 = tpu.memref_slice %arg3[%add3A_9, %dma_start3A_108] : memref<64x100000xf32, #tpu.memory_space<hbm>> -> memref<1x12544xf32, #tpu.memory_space<hbm>>
      tpu.enqueue_dma source(%dma_start3A_109 : memref<1x12544xf32, #tpu.memory_space<hbm>>) target(%dma_start3A_107 : memref<1x12544xf32, #tpu.memory_space<vmem>>) target_semaphore(%arg9 : memref<!tpu.dma_semaphore, #tpu.memory_space<semaphore_mem>>)
      %dma_start3A_110 = arith.constant 0 : i32
      %dma_start3A_111 = arith.constant 25088 : i32
      %dma_start3A_112 = tpu.memref_slice %arg7[%dma_start3A_110, %dma_start3A_111] : memref<1x50048xf32, #tpu.memory_space<vmem>> -> memref<1x12544xf32, #tpu.memory_space<vmem>>
      %dma_start3A_113 = arith.constant 75136 : i32
      %dma_start3A_114 = tpu.memref_slice %arg3[%add3A_9, %dma_start3A_113] : memref<64x100000xf32, #tpu.memory_space<hbm>> -> memref<1x12544xf32, #tpu.memory_space<hbm>>
      %dma_start3A_115 = arith.constant 0 : i32
      %dma_start3A_116 = arith.constant 25088 : i32
      %dma_start3A_117 = tpu.memref_slice %arg7[%dma_start3A_115, %dma_start3A_116] : memref<1x50048xf32, #tpu.memory_space<vmem>> -> memref<1x12544xf32, #tpu.memory_space<vmem>>
      %dma_start3A_118 = arith.constant 75136 : i32
      %dma_start3A_119 = tpu.memref_slice %arg3[%add3A_9, %dma_start3A_118] : memref<64x100000xf32, #tpu.memory_space<hbm>> -> memref<1x12544xf32, #tpu.memory_space<hbm>>
      tpu.enqueue_dma source(%dma_start3A_119 : memref<1x12544xf32, #tpu.memory_space<hbm>>) target(%dma_start3A_117 : memref<1x12544xf32, #tpu.memory_space<vmem>>) target_semaphore(%arg9 : memref<!tpu.dma_semaphore, #tpu.memory_space<semaphore_mem>>)
      %dma_start3A_120 = arith.constant 0 : i32
      %dma_start3A_121 = arith.constant 37632 : i32
      %dma_start3A_122 = tpu.memref_slice %arg7[%dma_start3A_120, %dma_start3A_121] : memref<1x50048xf32, #tpu.memory_space<vmem>> -> memref<1x12288xf32, #tpu.memory_space<vmem>>
      %dma_start3A_123 = arith.constant 87680 : i32
      %dma_start3A_124 = tpu.memref_slice %arg3[%add3A_9, %dma_start3A_123] : memref<64x100000xf32, #tpu.memory_space<hbm>> -> memref<1x12288xf32, #tpu.memory_space<hbm>>
      %dma_start3A_125 = arith.constant 0 : i32
      %dma_start3A_126 = arith.constant 37632 : i32
      %dma_start3A_127 = tpu.memref_slice %arg7[%dma_start3A_125, %dma_start3A_126] : memref<1x50048xf32, #tpu.memory_space<vmem>> -> memref<1x12288xf32, #tpu.memory_space<vmem>>
      %dma_start3A_128 = arith.constant 87680 : i32
      %dma_start3A_129 = tpu.memref_slice %arg3[%add3A_9, %dma_start3A_128] : memref<64x100000xf32, #tpu.memory_space<hbm>> -> memref<1x12288xf32, #tpu.memory_space<hbm>>
      tpu.enqueue_dma source(%dma_start3A_129 : memref<1x12288xf32, #tpu.memory_space<hbm>>) target(%dma_start3A_127 : memref<1x12288xf32, #tpu.memory_space<vmem>>) target_semaphore(%arg9 : memref<!tpu.dma_semaphore, #tpu.memory_space<semaphore_mem>>)
      %dma_start3A_130 = arith.constant 0 : i32
      %dma_start3A_131 = arith.constant 49920 : i32
      %dma_start3A_132 = tpu.memref_slice %arg7[%dma_start3A_130, %dma_start3A_131] : memref<1x50048xf32, #tpu.memory_space<vmem>> -> memref<1x128xf32, #tpu.memory_space<vmem>>
      %dma_start3A_133 = arith.constant 0 : i32
      %dma_start3A_134 = tpu.memref_slice %arg4[%add3A_9, %dma_start3A_133] : memref<64x128xf32, #tpu.memory_space<hbm>> -> memref<1x128xf32, #tpu.memory_space<hbm>>
      %dma_start3A_135 = arith.constant 0 : i32
      %dma_start3A_136 = arith.constant 49920 : i32
      %dma_start3A_137 = tpu.memref_slice %arg7[%dma_start3A_135, %dma_start3A_136] : memref<1x50048xf32, #tpu.memory_space<vmem>> -> memref<1x128xf32, #tpu.memory_space<vmem>>
      %dma_start3A_138 = arith.constant 0 : i32
      %dma_start3A_139 = tpu.memref_slice %arg4[%add3A_9, %dma_start3A_138] : memref<64x128xf32, #tpu.memory_space<hbm>> -> memref<1x128xf32, #tpu.memory_space<hbm>>
      tpu.enqueue_dma source(%dma_start3A_139 : memref<1x128xf32, #tpu.memory_space<hbm>>) target(%dma_start3A_137 : memref<1x128xf32, #tpu.memory_space<vmem>>) target_semaphore(%arg9 : memref<!tpu.dma_semaphore, #tpu.memory_space<semaphore_mem>>)
      %dma_wait3A_140 = arith.constant 0 : i32
      %dma_wait3A_141 = arith.constant 0 : i32
      %dma_wait3A_142 = tpu.memref_slice %arg7[%dma_wait3A_140, %dma_wait3A_141] : memref<1x50048xf32, #tpu.memory_space<vmem>> -> memref<1x12544xf32, #tpu.memory_space<vmem>>
      %dma_wait3A_143 = arith.constant 50048 : i32
      %dma_wait3A_144 = tpu.memref_slice %arg3[%add3A_9, %dma_wait3A_143] : memref<64x100000xf32, #tpu.memory_space<hbm>> -> memref<1x12544xf32, #tpu.memory_space<hbm>>
      %dma_wait3A_145 = arith.constant 0 : i32
      %dma_wait3A_146 = arith.constant 0 : i32
      %dma_wait3A_147 = tpu.memref_slice %arg7[%dma_wait3A_145, %dma_wait3A_146] : memref<1x50048xf32, #tpu.memory_space<vmem>> -> memref<1x12544xf32, #tpu.memory_space<vmem>>
      %dma_wait3A_148 = arith.constant 50048 : i32
      %dma_wait3A_149 = tpu.memref_slice %arg3[%add3A_9, %dma_wait3A_148] : memref<64x100000xf32, #tpu.memory_space<hbm>> -> memref<1x12544xf32, #tpu.memory_space<hbm>>
      tpu.wait_dma2 semaphore(%arg9 : memref<!tpu.dma_semaphore, #tpu.memory_space<semaphore_mem>>) src(%dma_wait3A_149 : memref<1x12544xf32, #tpu.memory_space<hbm>>) dst(%dma_wait3A_147 : memref<1x12544xf32, #tpu.memory_space<vmem>>)
      %dma_wait3A_150 = arith.constant 0 : i32
      %dma_wait3A_151 = arith.constant 12544 : i32
      %dma_wait3A_152 = tpu.memref_slice %arg7[%dma_wait3A_150, %dma_wait3A_151] : memref<1x50048xf32, #tpu.memory_space<vmem>> -> memref<1x12544xf32, #tpu.memory_space<vmem>>
      %dma_wait3A_153 = arith.constant 62592 : i32
      %dma_wait3A_154 = tpu.memref_slice %arg3[%add3A_9, %dma_wait3A_153] : memref<64x100000xf32, #tpu.memory_space<hbm>> -> memref<1x12544xf32, #tpu.memory_space<hbm>>
      %dma_wait3A_155 = arith.constant 0 : i32
      %dma_wait3A_156 = arith.constant 12544 : i32
      %dma_wait3A_157 = tpu.memref_slice %arg7[%dma_wait3A_155, %dma_wait3A_156] : memref<1x50048xf32, #tpu.memory_space<vmem>> -> memref<1x12544xf32, #tpu.memory_space<vmem>>
      %dma_wait3A_158 = arith.constant 62592 : i32
      %dma_wait3A_159 = tpu.memref_slice %arg3[%add3A_9, %dma_wait3A_158] : memref<64x100000xf32, #tpu.memory_space<hbm>> -> memref<1x12544xf32, #tpu.memory_space<hbm>>
      tpu.wait_dma2 semaphore(%arg9 : memref<!tpu.dma_semaphore, #tpu.memory_space<semaphore_mem>>) src(%dma_wait3A_159 : memref<1x12544xf32, #tpu.memory_space<hbm>>) dst(%dma_wait3A_157 : memref<1x12544xf32, #tpu.memory_space<vmem>>)
      %dma_wait3A_160 = arith.constant 0 : i32
      %dma_wait3A_161 = arith.constant 25088 : i32
      %dma_wait3A_162 = tpu.memref_slice %arg7[%dma_wait3A_160, %dma_wait3A_161] : memref<1x50048xf32, #tpu.memory_space<vmem>> -> memref<1x12544xf32, #tpu.memory_space<vmem>>
      %dma_wait3A_163 = arith.constant 75136 : i32
      %dma_wait3A_164 = tpu.memref_slice %arg3[%add3A_9, %dma_wait3A_163] : memref<64x100000xf32, #tpu.memory_space<hbm>> -> memref<1x12544xf32, #tpu.memory_space<hbm>>
      %dma_wait3A_165 = arith.constant 0 : i32
      %dma_wait3A_166 = arith.constant 25088 : i32
      %dma_wait3A_167 = tpu.memref_slice %arg7[%dma_wait3A_165, %dma_wait3A_166] : memref<1x50048xf32, #tpu.memory_space<vmem>> -> memref<1x12544xf32, #tpu.memory_space<vmem>>
      %dma_wait3A_168 = arith.constant 75136 : i32
      %dma_wait3A_169 = tpu.memref_slice %arg3[%add3A_9, %dma_wait3A_168] : memref<64x100000xf32, #tpu.memory_space<hbm>> -> memref<1x12544xf32, #tpu.memory_space<hbm>>
      tpu.wait_dma2 semaphore(%arg9 : memref<!tpu.dma_semaphore, #tpu.memory_space<semaphore_mem>>) src(%dma_wait3A_169 : memref<1x12544xf32, #tpu.memory_space<hbm>>) dst(%dma_wait3A_167 : memref<1x12544xf32, #tpu.memory_space<vmem>>)
      %dma_wait3A_170 = arith.constant 0 : i32
      %dma_wait3A_171 = arith.constant 37632 : i32
      %dma_wait3A_172 = tpu.memref_slice %arg7[%dma_wait3A_170, %dma_wait3A_171] : memref<1x50048xf32, #tpu.memory_space<vmem>> -> memref<1x12288xf32, #tpu.memory_space<vmem>>
      %dma_wait3A_173 = arith.constant 87680 : i32
      %dma_wait3A_174 = tpu.memref_slice %arg3[%add3A_9, %dma_wait3A_173] : memref<64x100000xf32, #tpu.memory_space<hbm>> -> memref<1x12288xf32, #tpu.memory_space<hbm>>
      %dma_wait3A_175 = arith.constant 0 : i32
      %dma_wait3A_176 = arith.constant 37632 : i32
      %dma_wait3A_177 = tpu.memref_slice %arg7[%dma_wait3A_175, %dma_wait3A_176] : memref<1x50048xf32, #tpu.memory_space<vmem>> -> memref<1x12288xf32, #tpu.memory_space<vmem>>
      %dma_wait3A_178 = arith.constant 87680 : i32
      %dma_wait3A_179 = tpu.memref_slice %arg3[%add3A_9, %dma_wait3A_178] : memref<64x100000xf32, #tpu.memory_space<hbm>> -> memref<1x12288xf32, #tpu.memory_space<hbm>>
      tpu.wait_dma2 semaphore(%arg9 : memref<!tpu.dma_semaphore, #tpu.memory_space<semaphore_mem>>) src(%dma_wait3A_179 : memref<1x12288xf32, #tpu.memory_space<hbm>>) dst(%dma_wait3A_177 : memref<1x12288xf32, #tpu.memory_space<vmem>>)
      %dma_wait3A_180 = arith.constant 0 : i32
      %dma_wait3A_181 = arith.constant 49920 : i32
      %dma_wait3A_182 = tpu.memref_slice %arg7[%dma_wait3A_180, %dma_wait3A_181] : memref<1x50048xf32, #tpu.memory_space<vmem>> -> memref<1x128xf32, #tpu.memory_space<vmem>>
      %dma_wait3A_183 = arith.constant 0 : i32
      %dma_wait3A_184 = tpu.memref_slice %arg4[%add3A_9, %dma_wait3A_183] : memref<64x128xf32, #tpu.memory_space<hbm>> -> memref<1x128xf32, #tpu.memory_space<hbm>>
      %dma_wait3A_185 = arith.constant 0 : i32
      %dma_wait3A_186 = arith.constant 49920 : i32
      %dma_wait3A_187 = tpu.memref_slice %arg7[%dma_wait3A_185, %dma_wait3A_186] : memref<1x50048xf32, #tpu.memory_space<vmem>> -> memref<1x128xf32, #tpu.memory_space<vmem>>
      %dma_wait3A_188 = arith.constant 0 : i32
      %dma_wait3A_189 = tpu.memref_slice %arg4[%add3A_9, %dma_wait3A_188] : memref<64x128xf32, #tpu.memory_space<hbm>> -> memref<1x128xf32, #tpu.memory_space<hbm>>
      tpu.wait_dma2 semaphore(%arg9 : memref<!tpu.dma_semaphore, #tpu.memory_space<semaphore_mem>>) src(%dma_wait3A_189 : memref<1x128xf32, #tpu.memory_space<hbm>>) dst(%dma_wait3A_187 : memref<1x128xf32, #tpu.memory_space<vmem>>)
      %parallel_loop3A_190 = arith.constant 0 : i32
      %parallel_loop3A_191 = arith.constant 16384 : i32
      %parallel_loop3A_192 = arith.constant 16 : i32
      scf.for %parallel_loop3A_193 = %parallel_loop3A_190 to %parallel_loop3A_191 step %parallel_loop3A_192  : i32 {
        %parallel_loop3A_194 = arith.index_cast %parallel_loop3A_193 : i32 to index
        %parallel_loop3A_195 = tpu.vector_load %arg6[%parallel_loop3A_194] {strides = array<i32>} : memref<16384xi32, #tpu.memory_space<vmem>>, vector<16xi32>,
        %parallel_loop3A_196 = arith.constant 50048 : i32
        %parallel_loop3A_197 = vector.broadcast %parallel_loop3A_196 : i32 to vector<16xi32>
        %parallel_loop3A_198 = arith.cmpi sge, %parallel_loop3A_195, %parallel_loop3A_197 : vector<16xi32>
        %parallel_loop3A_199 = arith.constant 99872 : i32
        %parallel_loop3A_200 = vector.broadcast %parallel_loop3A_199 : i32 to vector<16xi32>
        %parallel_loop3A_201 = arith.cmpi sge, %parallel_loop3A_195, %parallel_loop3A_200 : vector<16xi32>
        %parallel_loop3A_202 = arith.constant 49952 : i32
        %parallel_loop3A_203 = vector.broadcast %parallel_loop3A_202 : i32 to vector<16xi32>
        %parallel_loop3A_204 = arith.subi %parallel_loop3A_195, %parallel_loop3A_203 : vector<16xi32>
        %parallel_loop3A_205 = arith.constant 50048 : i32
        %parallel_loop3A_206 = vector.broadcast %parallel_loop3A_205 : i32 to vector<16xi32>
        %parallel_loop3A_207 = arith.subi %parallel_loop3A_195, %parallel_loop3A_206 : vector<16xi32>
        %parallel_loop3A_208 = arith.select %parallel_loop3A_201, %parallel_loop3A_204, %parallel_loop3A_207 : vector<16xi1>, vector<16xi32>
        %parallel_loop3A_209 = tpu.vector_load_idx %arg7[%broadcast_in_dim3A_1, %parallel_loop3A_208] masked %parallel_loop3A_198 : memref<1x50048xf32, #tpu.memory_space<vmem>>[vector<16xi32>, vector<16xi32>], vector<16xf32>, vector<16xi1>
        %parallel_loop3A_210 = vector.broadcast %parallel_loop3A_193 : i32 to vector<16xi32>
        %parallel_loop3A_211 = arith.addi %iota3A, %parallel_loop3A_210 : vector<16xi32>
        tpu.vector_store_idx %arg8[%broadcast_in_dim3A_1, %parallel_loop3A_211], %parallel_loop3A_209 masked %parallel_loop3A_198 : memref<1x16384xf32, #tpu.memory_space<vmem>>[vector<16xi32>, vector<16xi32>], vector<16xf32>, vector<16xi1>
      } {sc.loop_unroll_factor = 8 : i64, sc.parallel_access}
      "tpu.region"() ({
        %run_scoped3A = tpu.sem_alloc : memref<!tpu.dma_semaphore, #tpu.memory_space<semaphore_mem>>
        %dma_start3A_193 = arith.constant 0 : i32
        %dma_start3A_194 = tpu.memref_slice %arg5[%add3A_9, %dma_start3A_193] : memref<64x16384xf32, #tpu.memory_space<hbm>> -> memref<1x16384xf32, #tpu.memory_space<hbm>>
        %dma_start3A_195 = arith.constant 0 : i32
        %dma_start3A_196 = tpu.memref_slice %arg5[%add3A_9, %dma_start3A_195] : memref<64x16384xf32, #tpu.memory_space<hbm>> -> memref<1x16384xf32, #tpu.memory_space<hbm>>
        tpu.enqueue_dma source(%arg8 : memref<1x16384xf32, #tpu.memory_space<vmem>>) target(%dma_start3A_196 : memref<1x16384xf32, #tpu.memory_space<hbm>>) target_semaphore(%run_scoped3A : memref<!tpu.dma_semaphore, #tpu.memory_space<semaphore_mem>>)
        %dma_wait3A_197 = arith.constant 0 : i32
        %dma_wait3A_198 = tpu.memref_slice %arg5[%add3A_9, %dma_wait3A_197] : memref<64x16384xf32, #tpu.memory_space<hbm>> -> memref<1x16384xf32, #tpu.memory_space<hbm>>
        %dma_wait3A_199 = arith.constant 0 : i32
        %dma_wait3A_200 = tpu.memref_slice %arg5[%add3A_9, %dma_wait3A_199] : memref<64x16384xf32, #tpu.memory_space<hbm>> -> memref<1x16384xf32, #tpu.memory_space<hbm>>
        tpu.wait_dma2 semaphore(%run_scoped3A : memref<!tpu.dma_semaphore, #tpu.memory_space<semaphore_mem>>) src(%arg8 : memref<1x16384xf32, #tpu.memory_space<vmem>>) dst(%dma_wait3A_200 : memref<1x16384xf32, #tpu.memory_space<hbm>>)
        tpu.yield
      }) : () -> ()
    }
    %scan3A_5 = arith.constant 2 : i32
    return
  }
}

</mosaic_0001>

<sc_bundles>
// kernel: kernel.3.cloned.1.call-start
scs
__scs_entry_jumppad:
0x0: {  	(pc) =	sbr.rel $0x88, $3  }
0x1: {  	(tag) =	ssettag $0x0;
	lr =	simm.s32 $0x1  }
0x2: {  	[smem:$0x3F9F] =	sst lr;
	_ =	strace $0xD0000000  }
0x3: {  	_ = 	snop  }
0x4: {  	_ = 	snop  }
0x5: {  	_ = 	snop  }
0x6: {  	_ = 	snop  }
0x7: {  	_ = 	snop  }
__scs_overlays_trampoline_lowered:
0x8: {  	[smem:$0x3FAE] =	sst s0  }
0x9: {  	[smem:$0x3FAF] =	sst s1  }
0xa: {  	[smem:$0x3FB0] =	sst s2  }
0xb: {  	[smem:$0x3FB1] =	sst s3  }
0xc: {  	[smem:$0x3FB2] =	sst s4  }
0xd: {  	[smem:$0x3FB3] =	sst s5  }
0xe: {  	[smem:$0x3FB4] =	sst s6  }
0xf: {  	[smem:$0x3FB5] =	sst s7  }
0x10: {  	[smem:$0x3FB6] =	sst s8  }
0x11: {  	[smem:$0x3FB7] =	sst s9;
	s0 =	simm.s32 @!p0 $0x0  }
0x12: {  	s1 =	sld [smem:$0x3F9D];
	s0 =	simm.s32 @p0 $0x1  }
0x13: {  	[smem:$0x3FB8] =	sst s0;
	s0 =	simm.s32 @!p1 $0x0  }
0x14: {  	s2 =	sld [smem:$0x3F9C];
	s0 =	simm.s32 @p1 $0x1  }
0x15: {  	[smem:$0x3FB9] =	sst s0;
	s0 =	simm.s32 @!p2 $0x0  }
0x16: {  	s3 =	sld [smem:$0x3FDB];
	s0 =	simm.s32 @p2 $0x1  }
0x17: {  	s4 =	simm.s32 $0x1BF5;
	[smem:$0x3FBB] =	sst s0  }
0x18: {  	s0 =	sld [smem:$0x3F9E];
	_ =	swait.ge [sflag:s4], $0x0  }
0x19: {  	s7 =	sld [smem:$0x3F9F]  }
0x1a: {  	s8 =	sadd.s32 $0xFFFFE003, lr  }
0x1b: {  	s9 =	sadd.s32 $0xFFFFFEF7, lr;
	s5 =	simm.s32 $0xFFFFFFFF;
	p2 =	slt.u32 s8, $0xFFFFF086  }
0x1c: {  	p1 =	slt.u32 s9, $0xF7A;
	s5 =	simm.s32 @!p2 $0x0  }
0x1d: {  	s5 =	simm.s32 @p1 $0x1;
	p0 =	seq.s32 s7, s2  }
0x1e: {  	s7 =	smul.u32 @!p0 $0xF7A, s2;
	p2 =	seq.s32 @!p0 s5, $0x0  }
0x1f: {  	s9 =	smul.u32 $0xF7A, s1;
	s8 =	simm.s32 @!p0 $0x1BF5;
	p2 =	por !p2, p0  }
0x20: {  	[sflag:s8] =	ssyncset.s32 @!p0 $0xFFFFF086;
	s6 =	sadd.s32 @!p0 s3, s7;
	s7 =	simm.s32 @!p0 $0x108  }
0x21: {  	s3 =	sadd.s32 s3, s9;
	s6 =	sadd.s32 @!p0 $0x88, s6;
	s7 =	simm.s32 @p2 $0x1082  }
0x22: {  	[simem:s7], [sflag:s8] =	dma.local @!p0 [hbm:s6], $0xF7A  }
0x23: {  	s9 =	sor.u32 $0xD0000000, s2;
	s6 =	simm.s32 $0x108;
	_ =	swait.ge @!p0 [sflag:s8], $0x0  }
0x24: {  	s3 =	sadd.s32 $0x88, s3;
	s6 =	simm.s32 @!p1 $0x1082;
	[sflag:s4] =	ssyncset.s32 $0xFFFFF086  }
0x25: {  	[simem:s6], [sflag:s4] =	dma.local [hbm:s3], $0xF7A  }
0x26: {  	[smem:$0x3F9F] =	sst s1;
	(tag) =	ssettag s2;
	_ =	strace s9  }
0x27: {  	s1 =	sld [smem:$0x3FAF]  }
0x28: {  	s2 =	sld [smem:$0x3FB0]  }
0x29: {  	s4 =	sld [smem:$0x3FB2]  }
0x2a: {  	p0 =	seq.s32 s5, $0x0;
	s5 =	sld [smem:$0x3FB3]  }
0x2b: {  	s6 =	sld [smem:$0x3FB4]  }
0x2c: {  	s7 =	sld [smem:$0x3FB5]  }
0x2d: {  	s3 =	simm.s32 $0x108;
	s8 =	sld [smem:$0x3FB6]  }
0x2e: {  	s3 =	simm.s32 @!p0 $0x1082;
	s9 =	sld [smem:$0x3FB7]  }
0x2f: {  	lr =	sadd.s32 s0, s3;
	s0 =	sld [smem:$0x3FAE]  }
0x30: {  	s3 =	sld [smem:$0x3FB1]  }
0x31: {  	[smem:$0x3FBA] =	sst s10  }
0x32: {  	s10 =	sld [smem:$0x3FB8];
	_ =	sdelay $0x3  }
0x33: {  	p0 =	seq.s32 s10, $0x1;
	s10 =	sld [smem:$0x3FBA];
	_ =	sdelay $0x3  }
0x34: {  	[smem:$0x3FBA] =	sst s10  }
0x35: {  	s10 =	sld [smem:$0x3FB9];
	_ =	sdelay $0x3  }
0x36: {  	p1 =	seq.s32 s10, $0x1;
	s10 =	sld [smem:$0x3FBA];
	_ =	sdelay $0x3  }
0x37: {  	[smem:$0x3FBA] =	sst s10  }
0x38: {  	s10 =	sld [smem:$0x3FBB]  }
0x39: {  	_ = 	snop;
	(pc) =	sbr.ind lr, $3  }
0x3a: {  	_ = 	snop  }
0x3b: {  	_ = 	snop  }
0x3c: {  	p2 =	seq.s32 s10, $0x1;
	s10 =	sld [smem:$0x3FBA]  }
0x3d: {  	_ =	shalt  }
0x3e: {  	_ =	shalt  }
0x3f: {  	_ =	shalt  }
0x40: {  	_ =	shalt  }
0x41: {  	_ =	shalt  }
0x42: {  	_ =	shalt  }
0x43: {  	_ =	shalt  }
0x44: {  	_ =	shalt  }
0x45: {  	_ =	shalt  }
0x46: {  	_ =	shalt  }
0x47: {  	_ =	shalt  }
0x48: {  	_ =	shalt  }
0x49: {  	_ =	shalt  }
0x4a: {  	_ =	shalt  }
0x4b: {  	_ =	shalt  }
0x4c: {  	_ =	shalt  }
0x4d: {  	_ =	shalt  }
0x4e: {  	_ =	shalt  }
0x4f: {  	_ =	shalt  }
0x50: {  	_ =	shalt  }
0x51: {  	_ =	shalt  }
0x52: {  	_ =	shalt  }
0x53: {  	_ =	shalt  }
0x54: {  	_ =	shalt  }
0x55: {  	_ =	shalt  }
0x56: {  	_ =	shalt  }
0x57: {  	_ =	shalt  }
0x58: {  	_ =	shalt  }
0x59: {  	_ =	shalt  }
0x5a: {  	_ =	shalt  }
0x5b: {  	_ =	shalt  }
0x5c: {  	_ =	shalt  }
0x5d: {  	_ =	shalt  }
0x5e: {  	_ =	shalt  }
0x5f: {  	_ =	shalt  }
0x60: {  	_ =	shalt  }
0x61: {  	_ =	shalt  }
0x62: {  	_ =	shalt  }
0x63: {  	_ =	shalt  }
0x64: {  	_ =	shalt  }
0x65: {  	_ =	shalt  }
0x66: {  	_ =	shalt  }
0x67: {  	_ =	shalt  }
0x68: {  	_ =	shalt  }
0x69: {  	_ =	shalt  }
0x6a: {  	_ =	shalt  }
0x6b: {  	_ =	shalt  }
0x6c: {  	_ =	shalt  }
0x6d: {  	_ =	shalt  }
0x6e: {  	_ =	shalt  }
0x6f: {  	_ =	shalt  }
0x70: {  	_ =	shalt  }
0x71: {  	_ =	shalt  }
0x72: {  	_ =	shalt  }
0x73: {  	_ =	shalt  }
0x74: {  	_ =	shalt  }
0x75: {  	_ =	shalt  }
0x76: {  	_ =	shalt  }
0x77: {  	_ =	shalt  }
0x78: {  	_ =	shalt  }
0x79: {  	_ =	shalt  }
0x7a: {  	_ =	shalt  }
0x7b: {  	_ =	shalt  }
0x7c: {  	_ =	shalt  }
0x7d: {  	_ =	shalt  }
0x7e: {  	_ =	shalt  }
0x7f: {  	_ =	shalt  }
0x80: {  	_ =	shalt  }
0x81: {  	_ =	shalt  }
0x82: {  	_ =	shalt  }
0x83: {  	_ =	shalt  }
0x84: {  	_ =	shalt  }
0x85: {  	_ =	shalt  }
0x86: {  	_ =	shalt  }
0x87: {  	_ =	shalt  }
.Lfunc_end0:
.L_simem_size_0:
called_computation_lowered:
.L_overlay_start_0:
0x88: {  	s2 =	sld [smem:$0x3FD9]  }
0x89: {  	s3 =	sld [smem:$0x3FFE];
	_ =	sdelay $0x1  }
0x8a: {  	s1 =	srdreg.scid  }
0x8b: {  	s0 =	sand.u32 $0x1, s1  }
0x8c: {  	s17 =	sshll.u32 s0, $0xA;
	s2 =	sadd.s32 s3, s2  }
0x8d: {  	s2 =	sadd.s32 s2, s17  }
0x8e: {  	[smem:$0x3FC6] =	sst s2  }
0x8f: {  	_ = 	snop  }
0x90: {  	s2 =	sld [smem:$0x3FC9]  }
0x91: {  	s18 =	sld [smem:$0x3FC8]  }
0x92: {  	s4 =	sld [smem:$0x3FD0];
	(tm) =	ssettm $0x1  }
0x93: {  	s5 =	sld [smem:$0x3FFB];
	_ =	sdelay $0x3  }
0x94: {  	_ =	strace s5  }
0x95: {  	s5 =	sld [smem:$0x3FFC];
	_ =	sdelay $0x3  }
0x96: {  	_ =	strace s5  }
0x97: {  	s5 =	sld [smem:$0x3FFD];
	_ =	sdelay $0x3  }
0x98: {  	_ =	strace s5  }
0x99: {  	_ =	strace $0x8FFFFFFF  }
0x9a: {  	s19 =	sld [smem:$0x3FDB];
	_ =	sdelay $0x1  }
0x9b: {  	s6 =	simm.s32 $_scs_section_size  }
0x9c: {  	s7 =	simm.s32 $_size__tile_overlayer_lowered;
	s8 =	simm.s32 $_tile_overlayer_lowered  }
0x9d: {  	s22 =	simm.s32 $0x1BFF;
	s21 =	sshll.u32 s8, $0x1;
	s5 =	sadd.s32 s6, s19  }
0x9e: {  	s9 =	simm.s32 $0x0;
	s20 =	sshll.u32 s7, $0x1;
	s7 =	sadd.s32 s21, s5  }
0x9f: {  	[timem:s9], [sflag:s22] =	dma.local [hbm:s7], s20  }
0xa0: {  	_ =	swait.ge [sflag:s22], s20  }
0xa1: {  	s6 =	ssub.s32 $0x0, s20;
	[sflag:s22] =	ssyncset.done $0x0  }
0xa2: {  	[sflag:s22] =	ssyncadd.s32 s6;
	_ =	sdelay $0x1  }
0xa3: {  	s23 =	simm.s32 $0x1B8B  }
0xa4: {  	_ =	swait.ge [sflag:s23], $0x1  }
0xa5: {  	[sflag:s23] =	ssyncset.done $0x0  }
0xa6: {  	s25 =	simm.s32 $0x1B8E;
	s24 =	sld [smem:$0x3FFE];
	[sflag:s23] =	ssyncadd.s32 $0xFFFFFFFF  }
0xa7: {  	s26 =	simm.s32 $execute0_lowered;
	[smem:$0x3FD2] =	sst s25  }
0xa8: {  	s7 =	sshll.u32 s26, $0x1;
	_ =	strace $0x80000046;
	[dreg:$0x1] =	wrdreg $0xFFFFFFFF  }
0xa9: {  	s28 =	simm.s32 $_size_execute0_lowered;
	s5 =	sadd.s32 s5, s7;
	[dreg:$0x0] =	wrdreg $0x0  }
0xaa: {  	s7 =	sshll.u32 s28, $0x1;
	[dreg:$0x2] =	wrdreg s5  }
0xab: {  	[dreg:$0x3] =	wrdreg s7  }
0xac: {  	[dreg:$0x4] =	wrdreg $0xC0  }
0xad: {  	_ =	task [dreg:s9], $0x5FFFF  }
0xae: {  	[dreg:$0x1] =	wrdreg $0xFFFFFFFF  }
0xaf: {  	[dreg:$0x0] =	wrdreg $0x60  }
0xb0: {  	[dreg:$0x2] =	wrdreg s2  }
0xb1: {  	[dreg:$0x3] =	wrdreg s18  }
0xb2: {  	[dreg:$0x4] =	wrdreg s24  }
0xb3: {  	[dreg:$0x5] =	wrdreg s4  }
0xb4: {  	[dreg:$0x6] =	wrdreg $0x9  }
0xb5: {  	_ =	task.clear_ibuf [dreg:s9], $0x7FFFF;
	_ =	strace $0x90000046  }
0xb6: {  	s29 =	simm.s32 $0x9;
	_ =	strace $0x80000048  }
0xb7: {  	_ =	swait.ge [sflag:s29], $0x1  }
0xb8: {  	[sflag:s29] =	ssyncadd.s32 $0xFFFFFFFF  }
0xb9: {  	_ =	strace $0x90000048  }
0xba: {  	_ =	sfence  }
0xbb: {  	s30 =	sld [smem:$0x0];
	_ =	sdelay $0x2  }
0xbc: {  	s31 =	sshll.u32 s1, $0xD;
	s1 =	sshrl.u32 s1, $0x2  }
0xbd: {  	s3 =	sand.u32 $0x4000, s31;
	s1 =	sadd.s32 s1, s30  }
0xbe: {  	s0 =	sor.u32 s3, s0;
	s1 =	sshll.u32 s1, $0x11  }
0xbf: {  	s0 =	sor.u32 s1, s0  }
0xc0: {  	s0 =	sadd.s32 $0x8F2B, s0  }
0xc1: {  	[sflag:s0] =	ssyncadd.remote.s32 $0x1  }
0xc2: {  	_ =	sfence.sel $0xFFFF  }
0xc3: {  	[dreg:$0x0] =	wrdreg $0xFFFFFFFF;
	(pc) =	sbr.abs _section_cstart, $3  }
0xc4: {  	[dreg:$0x1] =	wrdreg $0xFFFFFFFF  }
0xc5: {  	_ =	task.clear_ibuf [dreg:s9], $0x2FFFF;
	_ =	strace $0x9FFFFFFF  }
0xc6: {  	(tm) =	ssettm $0x7FFFFFFF  }
0xc7: {  	_ =	shalt  }
tec
execute0_lowered:
.L_overlay_start_1:
0x0: {  	(tag) =	ssettag $0x1  }
0x1: {  	s1 =	rddreg [dreg:$0x0]  }
0x2: {  	s2 =	rddreg [dreg:$0x1]  }
0x3: {  	s0 =	rddreg [dreg:$0x2]  }
0x4: {  	s4 =	rddreg [dreg:$0x3];
	s3 =	srdreg.scid  }
0x5: {  	s5 =	simm.s32 $0x0;
	s10 =	stileid.u32;
	s19 =	simm.s32 $0x2  }
0x6: {  	s20 =	simm.s32 $0x80;
	s21 =	simm.s32 $0x400;
	s22 =	simm.s32 $0x4000  }
0x7: {  	s23 =	simm.s32 $0x7100;
	s24 =	simm.s32 $0xA200;
	s25 =	simm.s32 $0xD300  }
0x8: {  	s28 =	simm.s32 $0x10380;
	s29 =	simm.s32 $0x10300;
	s30 =	simm.s32 $0x0  }
0x9: {  	s3 =	sand.u32 $0x1, s3;
	[smem:$0x7FF] =	sst s5;
	s16 =	sshrl.u32 s10, $0x1  }
0xa: {  	s7 =	sadd.s32 $0x400, s0;
	s18 =	sshll.u32 s10, $0x9;
	s8 =	ssub.s32 $0x2, s3  }
0xb: {  	_ =	strace $0x80000047;
	s6 =	smul.u32 $0xC3800, s16;
	s3 =	sshll.u32 s3, $0x8  }
0xc: {  	s15 =	sshll.u32 s16, $0xA;
	s31 =	sand.u32 $0x200, s18;
	s9 =	sshrl.u32 s8, $0x1  }
0xd: {  	v0 =	vlaneseq.u32;
	s16 =	sshll.u32 s16, $0x11;
	s18 =	sor.u32 s3, s31;
	s26 =	ssub.s32 s8, s9  }
0xe: {  	v8 =	vimm.s32 $0xFFFF3C80;
	v1 =	vor.u32 $0x10, v0;
	s8 =	sadd.s32 $0x18800, s6;
	s9 =	sadd.s32 $0x31000, s6;
	s10 =	sadd.s32 $0x49800, s6  }
0xf: {  	v2 =	vor.u32 $0x20, v0;
	v3 =	vor.u32 $0x30, v0;
	v4 =	vor.u32 $0x40, v0;
	s11 =	sadd.s32 $0x61C00, s6;
	s12 =	sadd.s32 $0x7A400, s6;
	s13 =	sadd.s32 $0x92C00, s6  }
0x10: {  	v5 =	vor.u32 $0x50, v0;
	v6 =	vor.u32 $0x60, v0;
	v7 =	vor.u32 $0x70, v0;
	s14 =	sadd.s32 $0xAB400, s6;
	s17 =	smax.u32 s26, $0x1;
	s26 =	simm.s32 $0x1  }
.LBB2_1:
0x11: {  	[tilespmem:s5], [sflag:$0x2] =	stream.linear.gather [hbm4b:s1+s5], $0x4000, $0x38;
	[tilespmem:$0x14380] =	vst v63  }
0x12: {  	_ =	swait.ge [sflag:s19], $0x4000  }
0x13: {  	[sflag:s19] =	ssyncset.done $0x0  }
0x14: {  	p1 =	por $0x1, $0x1;
	s0 =	simm.s32 $0x0;
	[sflag:s19] =	ssyncadd.s32 $0xFFFFC000  }
.LBB2_2:
0x15: {  	s31 =	sor.u32 s18, s0  }
0x16: {  	s0 =	sor.u32 s6, s31  }
0x17: {  	s0 =	sshrl.u32 s0, $0x3  }
0x18: {  	s3 =	sor.u32 s8, s31;
	s0 =	sadd.s32 s2, s0  }
0x19: {  	[tilespmem:s22], [sflag:$0x1] =	stream.strided.gather [hbm4b:s0+s20], $0x3100, s21, s20, $0x38;
	[tilespmem:$0x14380] =	vst v63  }
0x1a: {  	s0 =	sshrl.u32 s3, $0x3  }
0x1b: {  	s3 =	sor.u32 s9, s31;
	s0 =	sadd.s32 s2, s0  }
0x1c: {  	[tilespmem:s23], [sflag:$0x1] =	stream.strided.gather [hbm4b:s0+s20], $0x3100, s21, s20, $0x38;
	[tilespmem:$0x14380] =	vst v63  }
0x1d: {  	s0 =	sshrl.u32 s3, $0x3  }
0x1e: {  	s3 =	sor.u32 s10, s31;
	s0 =	sadd.s32 s2, s0  }
0x1f: {  	[tilespmem:s24], [sflag:$0x1] =	stream.strided.gather [hbm4b:s0+s20], $0x3100, s21, s20, $0x38;
	[tilespmem:$0x14380] =	vst v63  }
0x20: {  	s0 =	sshrl.u32 s3, $0x3  }
0x21: {  	s0 =	sadd.s32 s2, s0  }
0x22: {  	[tilespmem:s25], [sflag:$0x1] =	stream.strided.gather [hbm4b:s0+s20], $0x3080, s21, s20, $0x38;
	[tilespmem:$0x14380] =	vst v63  }
0x23: {  	_ =	swait.ge [sflag:s26], $0x3100  }
0x24: {  	[sflag:s26] =	ssyncset.done $0x0  }
0x25: {  	[sflag:s26] =	ssyncadd.s32 $0xFFFFCF00  }
0x26: {  	_ =	swait.ge [sflag:s26], $0x3100  }
0x27: {  	[sflag:s26] =	ssyncset.done $0x0  }
0x28: {  	[sflag:s26] =	ssyncadd.s32 $0xFFFFCF00  }
0x29: {  	_ =	swait.ge [sflag:s26], $0x3100  }
0x2a: {  	[sflag:s26] =	ssyncset.done $0x0  }
0x2b: {  	[sflag:s26] =	ssyncadd.s32 $0xFFFFCF00  }
0x2c: {  	_ =	swait.ge [sflag:s26], $0x3080  }
0x2d: {  	[sflag:s26] =	ssyncset.done $0x0  }
0x2e: {  	s3 =	simm.s32 $0x40;
	[sflag:s26] =	ssyncadd.s32 $0xFFFFCF80  }
0x2f: {  	v9 =	vld [tilespmem:s3+$0x30]  }
0x30: {  	v10 =	vld [tilespmem:s3+$0xFFFFFFC0]  }
0x31: {  	v11 =	vld [tilespmem:s3+$0xFFFFFFD0]  }
0x32: {  	v12 =	vld [tilespmem:s3+$0xFFFFFFE0]  }
0x33: {  	v13 =	vld [tilespmem:s3+$0xFFFFFFF0]  }
0x34: {  	vm5 =	vlt.s32 v9, $0xC380  }
0x35: {  	vm6 =	vlt.s32 v10, $0xC380  }
0x36: {  	vm9 =	vlt.s32 v11, $0xC380  }
0x37: {  	v14 =	vld [tilespmem:s3+$0x0];
	vm3 =	vlt.s32 v12, $0xC380  }
0x38: {  	v15 =	vld [tilespmem:s3+$0x10];
	vm8 =	vlt.s32 v13, $0xC380  }
0x39: {  	v17 =	vld [tilespmem:s3+$0x20]  }
0x3a: {  	v16 =	vld.idx.msk [tilespmem:v9+s22+$0x0], vm5  }
0x3b: {  	s3 =	simm.s32 $0x0;
	v18 =	vld.idx.msk [tilespmem:v10+s22+$0x0], vm6  }
0x3c: {  	v19 =	vld.idx.msk [tilespmem:v11+s22+$0x0], vm9;
	v9 =	vmov s3  }
0x3d: {  	v20 =	vld.idx.msk [tilespmem:v12+s22+$0x0], vm3;
	v9 =	vshrl.u32 v9, $0x7  }
0x3e: {  	v21 =	vld.idx.msk [tilespmem:v13+s22+$0x0], vm8;
	s3 =	simm.s32 $0xC0;
	v9 =	vshll.u32 v9, $0x7  }
0x3f: {  	v22 =	vld [tilespmem:s3+$0x30];
	v12 =	vbroadcast v9, $0x0  }
0x40: {  	vm0 =	vlt.s32 v14, $0xC380;
	v23 =	vld [tilespmem:s3+$0xFFFFFFC0]  }
0x41: {  	vm1 =	vlt.s32 v15, $0xC380;
	vm7 =	vmmov vm0;
	v24 =	vld [tilespmem:s3+$0xFFFFFFD0];
	v13 =	vor.u32 v7, v12  }
0x42: {  	vm0 =	vmmov vm1;
	v25 =	vld [tilespmem:s3+$0xFFFFFFE0];
	v26 =	vor.u32 v0, v12  }
0x43: {  	vm10 =	vlt.s32 v17, $0xC380;
	v27 =	vld [tilespmem:s3+$0xFFFFFFF0];
	v28 =	vor.u32 v1, v12  }
0x44: {  	v10 =	vld [tilespmem:s3+$0x10];
	v29 =	vor.u32 v2, v12;
	vm1 =	vlt.s32 v22, $0xC380  }
0x45: {  	s0 =	simm.s32 $0x80;
	v9 =	vld [tilespmem:s3+$0x0];
	v30 =	vor.u32 v3, v12;
	vm2 =	vlt.s32 v23, $0xC380  }
0x46: {  	v31 =	vmov s0;
	v11 =	vld [tilespmem:s3+$0x20];
	vm4 =	vlt.s32 v24, $0xC380;
	[tilespmem:v13+s28+$0x0] =	vst.idx.msk vm5, v16  }
0x47: {  	v13 =	vshrl.u32 v31, $0x7;
	vm5 =	vlt.s32 v25, $0xC380;
	v31 =	vld.idx.msk [tilespmem:v14+s22+$0x0], vm7;
	[tilespmem:v26+s28+$0x0] =	vst.idx.msk vm6, v18  }
0x48: {  	vm6 =	vlt.s32 v27, $0xC380;
	v16 =	vld.idx.msk [tilespmem:v15+s22+$0x0], vm0;
	[tilespmem:v28+s28+$0x0] =	vst.idx.msk vm9, v19;
	v14 =	vshll.u32 v13, $0x7  }
0x49: {  	v32 =	vor.u32 v4, v12;
	v15 =	vld.idx.msk [tilespmem:v17+s22+$0x0], vm10;
	[tilespmem:v29+s28+$0x0] =	vst.idx.msk vm3, v20;
	v18 =	vbroadcast v14, $0x0  }
0x4a: {  	vm3 =	vmmov vm10;
	[tilespmem:v30+s28+$0x0] =	vst.idx.msk vm8, v21;
	vm10 =	vlt.s32 v9, $0xC380;
	v13 =	vor.u32 v5, v12;
	v17 =	vld.idx.msk [tilespmem:v22+s22+$0x0], vm1  }
0x4b: {  	vm9 =	vlt.s32 v10, $0xC380;
	v12 =	vor.u32 v6, v12;
	v20 =	vld.idx.msk [tilespmem:v23+s22+$0x0], vm2;
	v26 =	vor.u32 v7, v18  }
0x4c: {  	v23 =	vld.idx.msk [tilespmem:v24+s22+$0x0], vm4;
	v21 =	vor.u32 v0, v18;
	v24 =	vor.u32 v1, v18;
	v22 =	vor.u32 v2, v18  }
0x4d: {  	v19 =	vor.u32 v3, v18;
	v14 =	vor.u32 v4, v18;
	v28 =	vor.u32 v5, v18;
	v25 =	vld.idx.msk [tilespmem:v25+s22+$0x0], vm5  }
0x4e: {  	p0 =	por p1, p1;
	s3 =	simm.s32 $0x140;
	vm8 =	vlt.s32 v11, $0xC380;
	v18 =	vor.u32 v6, v18;
	[tilespmem:v32+s28+$0x0] =	vst.idx.msk vm7, v31;
	vm7 =	vmmov vm10;
	v27 =	vld.idx.msk [tilespmem:v27+s22+$0x0], vm6  }
.LBB2_3:
0x4f: {  	v29 =	vld [tilespmem:s3+$0x30];
	[tilespmem:v13+s28+$0x0] =	vst.idx.msk vm0, v16;
	v13 =	vmov v28;
	vm0 =	vmmov vm9  }
0x50: {  	v28 =	vld [tilespmem:s3+$0xFFFFFFC0];
	[tilespmem:v26+s28+$0x0] =	vst.idx.msk vm1, v17  }
0x51: {  	v30 =	vld [tilespmem:s3+$0xFFFFFFD0];
	[tilespmem:v21+s28+$0x0] =	vst.idx.msk vm2, v20  }
0x52: {  	v31 =	vld [tilespmem:s3+$0xFFFFFFE0];
	[tilespmem:v24+s28+$0x0] =	vst.idx.msk vm4, v23  }
0x53: {  	v32 =	vld [tilespmem:s3+$0xFFFFFFF0];
	[tilespmem:v22+s28+$0x0] =	vst.idx.msk vm5, v25  }
0x54: {  	v17 =	vld [tilespmem:s3+$0x0];
	vm1 =	vlt.s32 v29, $0xC380;
	[tilespmem:v19+s28+$0x0] =	vst.idx.msk vm6, v27  }
0x55: {  	s0 =	sadd.s32 $0x80, s0;
	vm2 =	vlt.s32 v28, $0xC380;
	v19 =	vld [tilespmem:s3+$0x10];
	[tilespmem:v12+s28+$0x0] =	vst.idx.msk vm3, v15;
	v12 =	vmov v18;
	vm3 =	vmmov vm8  }
0x56: {  	p1 =	slt.u32 s0, $0x3F80;
	v15 =	vmov s0;
	vm4 =	vlt.s32 v30, $0xC380;
	v18 =	vld [tilespmem:s3+$0x20]  }
0x57: {  	v15 =	vshrl.u32 v15, $0x7;
	vm5 =	vlt.s32 v31, $0xC380;
	v33 =	vld.idx.msk [tilespmem:v9+s22+$0x0], vm7  }
0x58: {  	v20 =	vshll.u32 v15, $0x7;
	vm6 =	vlt.s32 v32, $0xC380;
	v16 =	vld.idx.msk [tilespmem:v10+s22+$0x0], vm9  }
0x59: {  	v27 =	vbroadcast v20, $0x0;
	vm10 =	vlt.s32 v17, $0xC380;
	v15 =	vld.idx.msk [tilespmem:v11+s22+$0x0], vm8;
	v9 =	vmov v17  }
.Ltmp0:
0x5a: {  	vm9 =	vlt.s32 v19, $0xC380;
	v17 =	vld.idx.msk [tilespmem:v29+s22+$0x0], vm1;
	v10 =	vmov v19;
	(pc) =	sbr.rel @p1 .LBB2_3-.Ltmp0, $4  }
0x5b: {  	v21 =	vor.u32 v0, v27;
	v26 =	vor.u32 v7, v27;
	v20 =	vld.idx.msk [tilespmem:v28+s22+$0x0], vm2;
	vm8 =	vlt.s32 v18, $0xC380;
	v11 =	vmovc v18  }
0x5c: {  	v24 =	vor.u32 v1, v27;
	v22 =	vor.u32 v2, v27;
	v19 =	vor.u32 v3, v27;
	v23 =	vld.idx.msk [tilespmem:v30+s22+$0x0], vm4  }
0x5d: {  	v29 =	vor.u32 v4, v27;
	v28 =	vor.u32 v5, v27;
	v18 =	vor.u32 v6, v27;
	v25 =	vld.idx.msk [tilespmem:v31+s22+$0x0], vm5  }
0x5e: {  	s3 =	sadd.s32 $0x80, s3;
	v27 =	vld.idx.msk [tilespmem:v32+s22+$0x0], vm6;
	[tilespmem:v14+s28+$0x0] =	vst.idx.msk vm7, v33;
	v14 =	vmov v29;
	vm7 =	vmmov vm10  }
0x5f: {  	_ =	sdelay $0x2  }
0x60: {  	vm9 =	vmmov vm9;
	_ =	sdelay $0x1  }
0x61: {  	[tilespmem:v13+s28+$0x0] =	vst.idx.msk vm0, v16  }
0x62: {  	[tilespmem:v26+s28+$0x0] =	vst.idx.msk vm1, v17  }
0x63: {  	v9 =	vld.idx.msk [tilespmem:v9+s22+$0x0], vm7;
	[tilespmem:v12+s28+$0x0] =	vst.idx.msk vm3, v15  }
0x64: {  	v11 =	vld.idx.msk [tilespmem:v11+s22+$0x0], vm8;
	[tilespmem:v21+s28+$0x0] =	vst.idx.msk vm2, v20  }
0x65: {  	[tilespmem:v24+s28+$0x0] =	vst.idx.msk vm4, v23;
	v10 =	vld.idx.msk [tilespmem:v10+s22+$0x0], vm9  }
0x66: {  	[tilespmem:v22+s28+$0x0] =	vst.idx.msk vm5, v25  }
0x67: {  	[tilespmem:v19+s28+$0x0] =	vst.idx.msk vm6, v27  }
0x68: {  	s0 =	sor.u32 s11, s31;
	[tilespmem:v14+s28+$0x0] =	vst.idx.msk vm7, v9  }
0x69: {  	s0 =	sshrl.u32 s0, $0x3;
	[tilespmem:v18+s28+$0x0] =	vst.idx.msk vm8, v11  }
0x6a: {  	s3 =	sor.u32 s12, s31;
	s0 =	sadd.s32 s2, s0;
	[tilespmem:v28+s28+$0x0] =	vst.idx.msk vm9, v10  }
0x6b: {  	[tilespmem:s22], [sflag:$0x1] =	stream.strided.gather [hbm4b:s0+s20], $0x3100, s21, s20, $0x38;
	[tilespmem:$0x14380] =	vst v63  }
0x6c: {  	s0 =	sshrl.u32 s3, $0x3  }
0x6d: {  	s3 =	sor.u32 s13, s31;
	s0 =	sadd.s32 s2, s0  }
0x6e: {  	[tilespmem:s23], [sflag:$0x1] =	stream.strided.gather [hbm4b:s0+s20], $0x3100, s21, s20, $0x38;
	[tilespmem:$0x14380] =	vst v63  }
0x6f: {  	s0 =	sshrl.u32 s3, $0x3  }
0x70: {  	s3 =	sor.u32 s14, s31;
	s0 =	sadd.s32 s2, s0  }
0x71: {  	[tilespmem:s24], [sflag:$0x1] =	stream.strided.gather [hbm4b:s0+s20], $0x3100, s21, s20, $0x38;
	[tilespmem:$0x14380] =	vst v63  }
0x72: {  	s0 =	sshrl.u32 s3, $0x3  }
0x73: {  	s3 =	sor.u32 s15, s31;
	s0 =	sadd.s32 s2, s0  }
0x74: {  	[tilespmem:s25], [sflag:$0x1] =	stream.strided.gather [hbm4b:s0+s20], $0x3000, s21, s20, $0x38;
	[tilespmem:$0x14380] =	vst v63  }
0x75: {  	s0 =	sshrl.u32 s3, $0x3  }
0x76: {  	s0 =	sadd.s32 s7, s0  }
0x77: {  	[tilespmem:s29], [sflag:$0x1] =	stream.linear.gather [hbm4b:s0+s5], $0x80, $0x38;
	[tilespmem:$0x14380] =	vst v63  }
0x78: {  	_ =	swait.ge [sflag:s26], $0x3100  }
0x79: {  	[sflag:s26] =	ssyncset.done $0x0  }
0x7a: {  	[sflag:s26] =	ssyncadd.s32 $0xFFFFCF00  }
0x7b: {  	_ =	swait.ge [sflag:s26], $0x3100  }
0x7c: {  	[sflag:s26] =	ssyncset.done $0x0  }
0x7d: {  	[sflag:s26] =	ssyncadd.s32 $0xFFFFCF00  }
0x7e: {  	_ =	swait.ge [sflag:s26], $0x3100  }
0x7f: {  	[sflag:s26] =	ssyncset.done $0x0  }
0x80: {  	[sflag:s26] =	ssyncadd.s32 $0xFFFFCF00  }
0x81: {  	_ =	swait.ge [sflag:s26], $0x3000  }
0x82: {  	[sflag:s26] =	ssyncset.done $0x0  }
0x83: {  	[sflag:s26] =	ssyncadd.s32 $0xFFFFD000  }
0x84: {  	_ =	swait.ge [sflag:s26], $0x80  }
0x85: {  	[sflag:s26] =	ssyncset.done $0x0  }
0x86: {  	s3 =	simm.s32 $0x0;
	s0 =	simm.s32 $0x40;
	[sflag:s26] =	ssyncadd.s32 $0xFFFFFF80  }
0x87: {  	v11 =	vmov s3;
	v9 =	vld [tilespmem:s0+$0x30]  }
0x88: {  	v11 =	vshrl.u32 v11, $0x7;
	v10 =	vld [tilespmem:s0+$0x20]  }
0x89: {  	v11 =	vshll.u32 v11, $0x7;
	v12 =	vld [tilespmem:s0+$0x10]  }
0x8a: {  	v15 =	vbroadcast v11, $0x0;
	v13 =	vld [tilespmem:s0+$0x0]  }
0x8b: {  	vm0 =	vmmov vm8  }
0x8c: {  	s3 =	simm.s32 $0xC0;
	v22 =	vor.u32 v4, v15;
	v23 =	vor.u32 v7, v15;
	v24 =	vor.u32 v5, v15;
	v16 =	vld [tilespmem:s0+$0xFFFFFFF0]  }
0x8d: {  	v27 =	vld [tilespmem:s3+$0x30];
	vm0 =	vgt.s32 v9, $0x1861F;
	vm3 =	vgt.s32 v10, $0xC37F;
	vm1 =	vgt.s32 v10, $0x1861F  }
0x8e: {  	v30 =	vld [tilespmem:s3+$0x20];
	vm4 =	vgt.s32 v12, $0xC37F;
	vm2 =	vgt.s32 v12, $0x1861F;
	v14 =	vsel vm1, $0xFFFF3CE0, v8  }
0x8f: {  	v11 =	vld [tilespmem:s0+$0xFFFFFFD0];
	vm1 =	vgt.s32 v13, $0x1861F;
	v17 =	vsel vm2, $0xFFFF3CE0, v8;
	v10 =	vadd.s32 v10, v14  }
0x90: {  	v19 =	vld [tilespmem:s0+$0xFFFFFFE0];
	vm7 =	vgt.s32 v13, $0xC37F;
	v18 =	vsel vm1, $0xFFFF3CE0, v8;
	v12 =	vadd.s32 v12, v17  }
0x91: {  	v14 =	vld [tilespmem:s0+$0xFFFFFFC0];
	vm1 =	vgt.s32 v9, $0xC37F;
	v17 =	vsel vm0, $0xFFFF3CE0, v8;
	v13 =	vadd.s32 v13, v18  }
0x92: {  	v21 =	vor.u32 v1, v15;
	v31 =	vld [tilespmem:s3+$0x10];
	vm12 =	vgt.s32 v16, $0xC37F;
	v17 =	vadd.s32 v9, v17  }
0x93: {  	v32 =	vld [tilespmem:s3+$0x0];
	vm6 =	vgt.s32 v16, $0x1861F;
	vm10 =	vgt.s32 v27, $0x1861F;
	vm13 =	vgt.s32 v30, $0x1861F;
	s0 =	simm.s32 $0x80  }
0x94: {  	vm2 =	vgt.s32 v11, $0x1861F;
	vm0 =	vgt.s32 v11, $0xC37F;
	v20 =	vmov s0;
	v25 =	vld.idx.msk [tilespmem:v10+s22+$0x0], vm3  }
0x95: {  	vm8 =	vmmov vm1;
	v20 =	vshrl.u32 v20, $0x7;
	v26 =	vld.idx.msk [tilespmem:v12+s22+$0x0], vm4;
	v12 =	vsel vm2, $0xFFFF3CE0, v8  }
0x96: {  	v10 =	vshll.u32 v20, $0x7;
	vm5 =	vgt.s32 v14, $0x1861F;
	v63 =	vld.idx.msk [tilespmem:v13+s22+$0x0], vm7;
	v20 =	vadd.s32 v11, v12  }
0x97: {  	v18 =	vor.u32 v6, v15;
	vm2 =	vgt.s32 v14, $0xC37F;
	v13 =	vsel vm5, $0xFFFF3CE0, v8;
	v29 =	vld.idx.msk [tilespmem:v17+s22+$0x0], vm1  }
0x98: {  	v11 =	vsel vm6, $0xFFFF3CE0, v8;
	vm5 =	vgt.s32 v19, $0x1861F;
	v17 =	vadd.s32 v14, v13  }
0x99: {  	v9 =	vld [tilespmem:s3+$0xFFFFFFD0];
	vm1 =	vgt.s32 v19, $0xC37F;
	v12 =	vsel vm5, $0xFFFF3CE0, v8;
	v16 =	vadd.s32 v16, v11  }
0x9a: {  	vm14 =	vgt.s32 v31, $0x1861F;
	vm15 =	vgt.s32 v32, $0x1861F;
	v11 =	vld [tilespmem:s3+$0xFFFFFFF0];
	v33 =	vadd.s32 v19, v12  }
0x9b: {  	v34 =	vsel vm10, $0xFFFF3CE0, v8;
	v10 =	vbroadcast v10, $0x0;
	vm6 =	vgt.s32 v27, $0xC37F;
	v19 =	vld.idx.msk [tilespmem:v20+s22+$0x0], vm0  }
0x9c: {  	vm5 =	vmmov vm12;
	v14 =	vor.u32 v0, v15;
	v13 =	vor.u32 v2, v15;
	[tilespmem:v23+s28+$0x0] =	vst.idx.msk vm8, v29;
	v23 =	vld [tilespmem:s3+$0xFFFFFFC0]  }
0x9d: {  	v12 =	vor.u32 v3, v15;
	v15 =	vsel vm13, $0xFFFF3CE0, v8;
	[tilespmem:v18+s28+$0x0] =	vst.idx.msk vm3, v25;
	vm3 =	vgt.s32 v30, $0xC37F;
	v20 =	vld.idx.msk [tilespmem:v17+s22+$0x0], vm2  }
0x9e: {  	[tilespmem:v24+s28+$0x0] =	vst.idx.msk vm4, v26;
	vm4 =	vgt.s32 v31, $0xC37F;
	v25 =	vadd.s32 v30, v15;
	v17 =	vld.idx.msk [tilespmem:v16+s22+$0x0], vm12;
	v16 =	vsel vm14, $0xFFFF3CE0, v8  }
0x9f: {  	v15 =	vsel vm15, $0xFFFF3CE0, v8;
	[tilespmem:v22+s28+$0x0] =	vst.idx.msk vm7, v63;
	vm7 =	vgt.s32 v32, $0xC37F;
	v18 =	vld.idx.msk [tilespmem:v33+s22+$0x0], vm1;
	v26 =	vadd.s32 v31, v16  }
0xa0: {  	v24 =	vadd.s32 v32, v15;
	v15 =	vor.u32 v6, v10;
	v22 =	vadd.s32 v27, v34;
	v16 =	vld [tilespmem:s3+$0xFFFFFFE0];
	s3 =	simm.s32 $0x140  }
.LBB2_5:
0xa1: {  	s0 =	sadd.s32 $0x80, s0;
	v27 =	vld [tilespmem:s3+$0xFFFFFFD0];
	v28 =	vor.u32 v4, v10;
	v29 =	vor.u32 v7, v10;
	[tilespmem:v21+s28+$0x0] =	vst.idx.msk vm0, v19;
	vm9 =	vmmov vm6  }
0xa2: {  	vm8 =	vgt.s32 v11, $0xC37F;
	v21 =	vor.u32 v5, v10;
	v19 =	vmov s0;
	v30 =	vld [tilespmem:s3+$0x30];
	p1 =	slt.u32 s0, $0x3F80;
	[tilespmem:v14+s28+$0x0] =	vst.idx.msk vm2, v20  }
0xa3: {  	vm0 =	vgt.s32 v9, $0xC37F;
	vm10 =	vgt.s32 v9, $0x1861F;
	v14 =	vshrl.u32 v19, $0x7;
	v19 =	vld.idx.msk [tilespmem:v25+s22+$0x0], vm3;
	[tilespmem:v12+s28+$0x0] =	vst.idx.msk vm5, v17  }
0xa4: {  	vm11 =	vgt.s32 v11, $0x1861F;
	v12 =	vshll.u32 v14, $0x7;
	vm5 =	vgt.s32 v23, $0x1861F;
	v17 =	vld.idx.msk [tilespmem:v26+s22+$0x0], vm4;
	[tilespmem:v13+s28+$0x0] =	vst.idx.msk vm1, v18  }
0xa5: {  	vm2 =	vgt.s32 v23, $0xC37F;
	v14 =	vsel vm10, $0xFFFF3CE0, v8;
	v13 =	vsel vm5, $0xFFFF3CE0, v8;
	v18 =	vld.idx.msk [tilespmem:v24+s22+$0x0], vm7  }
0xa6: {  	v20 =	vadd.s32 v23, v13;
	v23 =	vadd.s32 v9, v14;
	v13 =	vsel vm11, $0xFFFF3CE0, v8;
	v22 =	vld.idx.msk [tilespmem:v22+s22+$0x0], vm6;
	v9 =	vmovc v27  }
0xa7: {  	v24 =	vbroadcast v12, $0x0;
	vm1 =	vgt.s32 v16, $0xC37F;
	vm5 =	vgt.s32 v16, $0x1861F;
	v25 =	vld [tilespmem:s3+$0x20]  }
0xa8: {  	v12 =	vsel vm5, $0xFFFF3CE0, v8;
	vm5 =	vmmov vm8;
	v27 =	vadd.s32 v11, v13;
	v26 =	vld [tilespmem:s3+$0x10]  }
0xa9: {  	v16 =	vadd.s32 v16, v12;
	v12 =	vor.u32 v3, v10;
	v31 =	vld [tilespmem:s3+$0x0];
	[tilespmem:v15+s28+$0x0] =	vst.idx.msk vm3, v19  }
0xaa: {  	v14 =	vor.u32 v0, v10;
	v13 =	vor.u32 v2, v10;
	v11 =	vld [tilespmem:s3+$0xFFFFFFF0];
	[tilespmem:v21+s28+$0x0] =	vst.idx.msk vm4, v17  }
0xab: {  	vm6 =	vgt.s32 v30, $0xC37F;
	vm4 =	vgt.s32 v30, $0x1861F;
	v21 =	vor.u32 v1, v10;
	v19 =	vld.idx.msk [tilespmem:v23+s22+$0x0], vm0;
	[tilespmem:v28+s28+$0x0] =	vst.idx.msk vm7, v18  }
.Ltmp1:
0xac: {  	v10 =	vmovc v24;
	v28 =	vsel vm4, $0xFFFF3CE0, v8;
	vm3 =	vgt.s32 v25, $0xC37F;
	vm7 =	vgt.s32 v25, $0x1861F;
	v20 =	vld.idx.msk [tilespmem:v20+s22+$0x0], vm2;
	[tilespmem:v29+s28+$0x0] =	vst.idx.msk vm9, v22;
	(pc) =	sbr.rel @p1 .LBB2_5-.Ltmp1, $4  }
0xad: {  	vm4 =	vgt.s32 v26, $0xC37F;
	vm9 =	vgt.s32 v26, $0x1861F;
	v15 =	vsel vm7, $0xFFFF3CE0, v8;
	v17 =	vld.idx.msk [tilespmem:v27+s22+$0x0], vm8  }
0xae: {  	vm8 =	vgt.s32 v31, $0x1861F;
	v22 =	vsel vm9, $0xFFFF3CE0, v8;
	v25 =	vadd.s32 v25, v15;
	v18 =	vld.idx.msk [tilespmem:v16+s22+$0x0], vm1  }
0xaf: {  	vm7 =	vgt.s32 v31, $0xC37F;
	v23 =	vld [tilespmem:s3+$0xFFFFFFC0];
	v15 =	vsel vm8, $0xFFFF3CE0, v8;
	v26 =	vadd.s32 v26, v22  }
0xb0: {  	v22 =	vadd.s32 v30, v28;
	v16 =	vld [tilespmem:s3+$0xFFFFFFE0];
	v24 =	vadd.s32 v31, v15;
	v15 =	vor.u32 v6, v10;
	s3 =	sadd.s32 $0x80, s3  }
0xb1: {  	_ = 	snop  }
0xb2: {  	vm9 =	vgt.s32 v11, $0xC37F  }
0xb3: {  	v27 =	vor.u32 v5, v10;
	vm10 =	vgt.s32 v9, $0x1861F;
	vm12 =	vgt.s32 v11, $0x1861F  }
0xb4: {  	vm8 =	vgt.s32 v9, $0xC37F;
	v28 =	vsel vm10, $0xFFFF3CE0, v8;
	v52 =	vsel vm12, $0xFFFF3CE0, v8  }
0xb5: {  	v9 =	vadd.s32 v9, v28;
	v11 =	vadd.s32 v11, v52;
	vm11 =	vgt.s32 v23, $0x1861F  }
0xb6: {  	v50 =	vld.idx.msk [tilespmem:v25+s22+$0x0], vm3;
	vm10 =	vgt.s32 v23, $0xC37F;
	v49 =	vsel vm11, $0xFFFF3CE0, v8;
	vm12 =	vgt.s32 v16, $0x1861F  }
0xb7: {  	[tilespmem:v21+s28+$0x0] =	vst.idx.msk vm0, v19;
	v53 =	vld.idx.msk [tilespmem:v26+s22+$0x0], vm4;
	vm13 =	vgt.s32 v16, $0xC37F;
	v51 =	vadd.s32 v23, v49;
	v54 =	vsel vm12, $0xFFFF3CE0, v8  }
0xb8: {  	[tilespmem:v14+s28+$0x0] =	vst.idx.msk vm2, v20;
	v55 =	vor.u32 v4, v10;
	v24 =	vld.idx.msk [tilespmem:v24+s22+$0x0], vm7;
	v56 =	vadd.s32 v16, v54  }
0xb9: {  	v57 =	vor.u32 v7, v10;
	v58 =	vld.idx.msk [tilespmem:v22+s22+$0x0], vm6;
	[tilespmem:v12+s28+$0x0] =	vst.idx.msk vm5, v17  }
0xba: {  	v59 =	vor.u32 v1, v10;
	[tilespmem:v13+s28+$0x0] =	vst.idx.msk vm1, v18;
	v9 =	vld.idx.msk [tilespmem:v9+s22+$0x0], vm8  }
0xbb: {  	v62 =	vor.u32 v3, v10;
	[tilespmem:v15+s28+$0x0] =	vst.idx.msk vm3, v50;
	v11 =	vld.idx.msk [tilespmem:v11+s22+$0x0], vm9  }
0xbc: {  	v60 =	vor.u32 v0, v10;
	[tilespmem:v27+s28+$0x0] =	vst.idx.msk vm4, v53;
	v61 =	vld.idx.msk [tilespmem:v51+s22+$0x0], vm10  }
0xbd: {  	v10 =	vor.u32 v2, v10;
	[tilespmem:v55+s28+$0x0] =	vst.idx.msk vm7, v24;
	v63 =	vld.idx.msk [tilespmem:v56+s22+$0x0], vm13  }
0xbe: {  	[tilespmem:v57+s28+$0x0] =	vst.idx.msk vm6, v58  }
0xbf: {  	[tilespmem:v59+s28+$0x0] =	vst.idx.msk vm8, v9  }
0xc0: {  	s0 =	sor.u32 s16, s31;
	[tilespmem:v62+s28+$0x0] =	vst.idx.msk vm9, v11  }
0xc1: {  	s0 =	sshrl.u32 s0, $0x3;
	[tilespmem:v60+s28+$0x0] =	vst.idx.msk vm10, v61  }
.Ltmp2:
0xc2: {  	s3 =	sadd.s32 s4, s0;
	s0 =	simm.s32 $0x80;
	[tilespmem:v10+s28+$0x0] =	vst.idx.msk vm13, v63;
	(pc) =	sbr.rel @p0 .LBB2_2-.Ltmp2, $4  }
0xc3: {  	[hbm4b:s3+s0] =	stream.strided.scatter [tilespmem:s28], [sflag:$0x2], $0x4000, s21, s0, $0x38;
	[tilespmem:$0x14380] =	vst v63  }
0xc4: {  	_ =	swait.ge [sflag:s19], $0x4000  }
0xc5: {  	[sflag:s19] =	ssyncset.done $0x0  }
0xc6: {  	vm14 =	vmmov vm6;
	p1 =	por $0x0, $0x0;
	vm15 =	vmmov vm9;
	[sflag:s19] =	ssyncadd.s32 $0xFFFFC000  }
0xc7: {  	s30 =	sadd.s32 $0x1, s30  }
0xc8: {  	p0 =	sne.s32 s30, s17  }
.Ltmp3:
0xc9: {  	_ = 	snop;
	(pc) =	sbr.rel @p0 .LBB2_1-.Ltmp3, $1  }
0xca: {  	_ =	sdelay $0x3  }
0xcb: {  	_ =	sfence.sel $0x180000  }
0xcc: {  	[bflag:$0x0] =	sbarrier.arrive $0xFFFF  }
0xcd: {  	_ =	strace $0x90000047  }
0xce: {  	s0 =	stileid.u32;
	[bflag:$0x2] =	sbarrier.arrive $0xFFFF  }
0xcf: {  	p0 =	sne.s32 s0, $0x0;
	s0 =	rddreg [dreg:$0x4]  }
0xd0: {  	s0 =	sadd.s32 @!p0 $0x100000, s0  }
0xd1: {  	[sflag:s0] =	ssyncadd.tile.s32 @!p0 $0x1;
	_ =	shalt  }
.Lfunc_end2:
_tile_overlayer_lowered:
.L_overlay_start_2:
0xd2: {  	(tag) =	ssettag $0x2  }
0xd3: {  	s0 =	rddreg [dreg:$0x0];
	s2 =	stileid.u32  }
0xd4: {  	s1 =	rddreg [dreg:$0x1];
	p0 =	sne.s32 s2, $0x0  }
0xd5: {  	s3 =	rddreg [dreg:$0x2];
	[bflag:$0x3] =	sbarrier.arrive $0xFFFF;
	s2 =	simm.s32 @!p0 $0x1C02  }
0xd6: {  	[timem:s3], [sflag:s2] =	dma.local @!p0 [hbm:s0], s1  }
0xd7: {  	s0 =	simm.s32 @!p0 $0x2  }
0xd8: {  	_ =	swait.ge @!p0 [sflag:s0], s1  }
0xd9: {  	s1 =	ssub.s32 @!p0 $0x0, s1;
	[sflag:s0] =	ssyncset.done @!p0 $0x0  }
0xda: {  	[sflag:s0] =	ssyncadd.s32 @!p0 s1  }
0xdb: {  	[bflag:$0x3] =	sbarrier.arrive $0xFFFF  }
0xdc: {  	_ =	shalt  }

</sc_bundles>
